<compile_context>
chip_gen: v7x
topology: tpu7x:2x2x1
jax: 0.10.2.dev20260603
libtpu: 0.0.44.dev20260713+nightly
codegen_flags: <defaults>
</compile_context>

<pallas_src>
import functools

import jax
import jax.numpy as jnp
from jax import lax
from jax.experimental import pallas as pl
from jax.experimental.pallas import tpu as pltpu
from jax.experimental.pallas import tpu_sc as plsc

_NUM_EDGES = 13264
_NUM_NODES = 2708

_NC = 2
_NS = 16
_L = 16

_E1 = 832
_E1T = _NUM_EDGES - 15 * _E1

_E3 = 416
_OFF_LAST = _NUM_EDGES - _E3

_N_PAD = 2816
_NZ = _N_PAD // _NS


def _rsqrt(x):
    i = lax.bitcast_convert_type(x, jnp.int32)
    i = jnp.int32(0x5F3759DF) - lax.shift_right_logical(i, 1)
    y = lax.bitcast_convert_type(i, jnp.float32)
    for _ in range(2):
        y = y * (jnp.float32(1.5) - jnp.float32(0.5) * x * y * y)
    return y


@functools.partial(
    pl.kernel,
    out_type=jax.ShapeDtypeStruct((_NUM_EDGES,), jnp.float32),
    mesh=plsc.VectorSubcoreMesh(
        core_axis_name="c", subcore_axis_name="s",
        num_cores=_NC, num_subcores=_NS),
    scratch_types=[
        pltpu.VMEM_SHARED((_N_PAD,), jnp.float32),
        pltpu.VMEM((_E1,), jnp.int32),
        pltpu.VMEM((_E1,), jnp.float32),
        pltpu.VMEM((_NZ,), jnp.float32),
        pltpu.VMEM((_N_PAD,), jnp.float32),
        pltpu.VMEM((_E3,), jnp.int32),
        pltpu.VMEM((_E3,), jnp.int32),
        pltpu.VMEM((_E3,), jnp.float32),
        pltpu.SemaphoreType.DMA,
    ],
    compiler_params=pltpu.CompilerParams(
        needs_layout_passes=False, use_tc_tiling_on_sc=False),
)
def _norm_kernel(e_hbm, out_hbm,
                 deg_sh, idx1_v, ones_v, zeros_v, deg_v, s3_v, d3_v, out_v,
                 sem_in):
    c = lax.axis_index("c")
    s = lax.axis_index("s")
    wid = c * _NS + s

    off3 = jnp.where(wid == _NC * _NS - 1, _OFF_LAST, wid * _E3)
    ld_s3 = pltpu.async_copy(e_hbm.at[0, pl.ds(off3, _E3)], s3_v, sem_in)
    ld_d3 = pltpu.async_copy(e_hbm.at[1, pl.ds(off3, _E3)], d3_v, sem_in)
    off1 = jnp.where(s == _NS - 1, _NUM_EDGES - _E1, s * _E1)
    ld_i1 = pltpu.async_copy(e_hbm.at[1, pl.ds(off1, _E1)], idx1_v, sem_in)

    ones16 = jnp.full((_L,), 1.0, jnp.float32)
    zeros16 = jnp.zeros((_L,), jnp.float32)

    def _fill_ones(k, carry):
        ones_v[pl.ds(k * _L, _L)] = ones16
        return carry

    lax.fori_loop(0, _E1 // _L, _fill_ones, 0)
    for k in range(_NZ // _L):
        zeros_v[pl.ds(k * _L, _L)] = zeros16

    pltpu.sync_copy(zeros_v, deg_sh.at[pl.ds(s * _NZ, _NZ)])
    ld_i1.wait()
    plsc.subcore_barrier()

    @pl.when(s < _NS - 1)
    def _():
        pltpu.sync_copy(ones_v, deg_sh.at[idx1_v], add=True)

    @pl.when(s == _NS - 1)
    def _():
        pltpu.sync_copy(ones_v.at[pl.ds(0, _E1T)],
                        deg_sh.at[idx1_v.at[pl.ds(_E1 - _E1T, _E1T)]],
                        add=True)

    plsc.subcore_barrier()

    pltpu.sync_copy(deg_sh, deg_v)
    ld_s3.wait()
    ld_d3.wait()

    @plsc.parallel_loop(0, _E3, step=_L, unroll=2)
    def _edge_step(i):
        si = s3_v[pl.ds(i, _L)]
        di = d3_v[pl.ds(i, _L)]
        a = plsc.load_gather(deg_v, [si])
        b = plsc.load_gather(deg_v, [di])
        m = a * b
        y = _rsqrt(m)
        out_v[pl.ds(i, _L)] = jnp.where(m > 0.0, y, jnp.float32(0.0))
    pltpu.sync_copy(out_v, out_hbm.at[pl.ds(off3, _E3)])


def kernel(arg0_1):
    return (_norm_kernel(arg0_1.astype(jnp.int32)),)

# --- scband reference (transcript-rebuilt; emitter-appended) ---
"""Pipeline reference for scband-repro-63428077027474 (READ-ONLY COPY).

The authoritative reference and input builder live on the scoring server;
editing this copy changes nothing except your own understanding.
"""

import jax, jax.numpy as jnp
import numpy as np

NUM_EDGES = 13264
NUM_NODES = 2708


def setup_inputs(seed: int = 0) -> dict:
    key = jax.random.key(seed)
    arg0_1 = jax.random.randint(key, (2, NUM_EDGES), 0, NUM_NODES, dtype=jnp.int64 if jax.config.jax_enable_x64 else jnp.int32)
    return {"arg0_1": arg0_1}


def reference(arg0_1):
    # GCN symmetric normalization coefficients: deg^{-1/2}[src] * deg^{-1/2}[dst]
    src = arg0_1[0]
    dst = arg0_1[1]
    ones = jnp.full((NUM_EDGES,), 1.0, dtype=jnp.float32)
    # scatter_add of ones into dst -> in-degree per node
    deg = jnp.zeros((NUM_NODES,), dtype=jnp.float32).at[dst].add(ones)
    deg_inv_sqrt = jnp.power(deg, -0.5)
    # replace +inf (from zero-degree nodes) with 0.0
    deg_inv_sqrt = jnp.where(deg_inv_sqrt == jnp.inf, jnp.float32(0.0), deg_inv_sqrt)
    norm = deg_inv_sqrt[src] * deg_inv_sqrt[dst]
    return (norm,)

if __name__ == "__main__":
    import jax
    _d = setup_inputs()
    print(jax.jit(kernel)(*tuple(_d.values())))

</pallas_src>

<mosaic_0001>
#map = affine_map<(d0, d1) -> (0, 0)>
#map1 = affine_map<(d0, d1) -> (0)>
module attributes {stable_mosaic.version = 14 : i64} {
  func.func @_norm_kernel(%arg0: i32, %arg1: i32, %arg2: memref<2x13264xi32, #tpu.memory_space<hbm>>, %arg3: memref<13264xf32, #tpu.memory_space<hbm>>, %arg4: memref<2816xf32, #tpu.memory_space<vmem_shared>>, %arg5: memref<832xi32, #tpu.memory_space<vmem>>, %arg6: memref<832xf32, #tpu.memory_space<vmem>>, %arg7: memref<176xf32, #tpu.memory_space<vmem>>, %arg8: memref<2816xf32, #tpu.memory_space<vmem>>, %arg9: memref<416xi32, #tpu.memory_space<vmem>>, %arg10: memref<416xi32, #tpu.memory_space<vmem>>, %arg11: memref<416xf32, #tpu.memory_space<vmem>>, %arg12: memref<!tpu.dma_semaphore, #tpu.memory_space<semaphore_mem>>) attributes {dimension_semantics = [#tpu.dimension_semantics<core_parallel>, #tpu.dimension_semantics<subcore_parallel>], iteration_bounds = array<i64: 2, 16>, scalar_prefetch = 0 : i64, scratch_operands = 9 : i64, tpu.core_type = #tpu.core_type<sc_vector_subcore>, window_params = [{transform_indices = #map}, {transform_indices = #map1}]} {
    %mul3A = arith.constant 16 : i32
    %mul3A_0 = arith.muli %arg0, %mul3A : i32
    %add3A = arith.addi %mul3A_0, %arg1 : i32
    %eq3A = arith.constant 31 : i32
    %eq3A_1 = arith.cmpi eq, %add3A, %eq3A : i32
    %mul3A_2 = arith.constant 416 : i32
    %mul3A_3 = arith.muli %add3A, %mul3A_2 : i32
    %jit3A = arith.constant 12848 : i32
    %select_n3A = arith.select %eq3A_1, %jit3A, %mul3A_3 : i32
    %dma_start3A = arith.constant 0 : i32
    %dma_start3A_4 = tpu.memref_slice %arg2[%dma_start3A, %select_n3A] : memref<2x13264xi32, #tpu.memory_space<hbm>> -> memref<1x416xi32, #tpu.memory_space<hbm>>
    %dma_start3A_5 = tpu.memref_squeeze %dma_start3A_4 : memref<1x416xi32, #tpu.memory_space<hbm>> -> memref<416xi32, #tpu.memory_space<hbm>>
    %dma_start3A_6 = tpu.memref_slice %arg2[%dma_start3A, %select_n3A] : memref<2x13264xi32, #tpu.memory_space<hbm>> -> memref<1x416xi32, #tpu.memory_space<hbm>>
    %dma_start3A_7 = tpu.memref_squeeze %dma_start3A_6 : memref<1x416xi32, #tpu.memory_space<hbm>> -> memref<416xi32, #tpu.memory_space<hbm>>
    tpu.enqueue_dma source(%dma_start3A_7 : memref<416xi32, #tpu.memory_space<hbm>>) target(%arg9 : memref<416xi32, #tpu.memory_space<vmem>>) target_semaphore(%arg12 : memref<!tpu.dma_semaphore, #tpu.memory_space<semaphore_mem>>)
    %dma_start3A_8 = arith.constant 1 : i32
    %dma_start3A_9 = tpu.memref_slice %arg2[%dma_start3A_8, %select_n3A] : memref<2x13264xi32, #tpu.memory_space<hbm>> -> memref<1x416xi32, #tpu.memory_space<hbm>>
    %dma_start3A_10 = tpu.memref_squeeze %dma_start3A_9 : memref<1x416xi32, #tpu.memory_space<hbm>> -> memref<416xi32, #tpu.memory_space<hbm>>
    %dma_start3A_11 = tpu.memref_slice %arg2[%dma_start3A_8, %select_n3A] : memref<2x13264xi32, #tpu.memory_space<hbm>> -> memref<1x416xi32, #tpu.memory_space<hbm>>
    %dma_start3A_12 = tpu.memref_squeeze %dma_start3A_11 : memref<1x416xi32, #tpu.memory_space<hbm>> -> memref<416xi32, #tpu.memory_space<hbm>>
    tpu.enqueue_dma source(%dma_start3A_12 : memref<416xi32, #tpu.memory_space<hbm>>) target(%arg10 : memref<416xi32, #tpu.memory_space<vmem>>) target_semaphore(%arg12 : memref<!tpu.dma_semaphore, #tpu.memory_space<semaphore_mem>>)
    %eq3A_13 = arith.constant 15 : i32
    %eq3A_14 = arith.cmpi eq, %arg1, %eq3A_13 : i32
    %mul3A_15 = arith.constant 832 : i32
    %mul3A_16 = arith.muli %arg1, %mul3A_15 : i32
    %jit3A_17 = arith.constant 12432 : i32
    %select_n3A_18 = arith.select %eq3A_14, %jit3A_17, %mul3A_16 : i32
    %dma_start3A_19 = arith.constant 1 : i32
    %dma_start3A_20 = tpu.memref_slice %arg2[%dma_start3A_19, %select_n3A_18] : memref<2x13264xi32, #tpu.memory_space<hbm>> -> memref<1x832xi32, #tpu.memory_space<hbm>>
    %dma_start3A_21 = tpu.memref_squeeze %dma_start3A_20 : memref<1x832xi32, #tpu.memory_space<hbm>> -> memref<832xi32, #tpu.memory_space<hbm>>
    %dma_start3A_22 = tpu.memref_slice %arg2[%dma_start3A_19, %select_n3A_18] : memref<2x13264xi32, #tpu.memory_space<hbm>> -> memref<1x832xi32, #tpu.memory_space<hbm>>
    %dma_start3A_23 = tpu.memref_squeeze %dma_start3A_22 : memref<1x832xi32, #tpu.memory_space<hbm>> -> memref<832xi32, #tpu.memory_space<hbm>>
    tpu.enqueue_dma source(%dma_start3A_23 : memref<832xi32, #tpu.memory_space<hbm>>) target(%arg5 : memref<832xi32, #tpu.memory_space<vmem>>) target_semaphore(%arg12 : memref<!tpu.dma_semaphore, #tpu.memory_space<semaphore_mem>>)
    %broadcast_in_dim3A = arith.constant 1.000000e+00 : f32
    %broadcast_in_dim3A_24 = vector.broadcast %broadcast_in_dim3A : f32 to vector<16xf32>
    %broadcast_in_dim3A_25 = arith.constant 0.000000e+00 : f32
    %broadcast_in_dim3A_26 = vector.broadcast %broadcast_in_dim3A_25 : f32 to vector<16xf32>
    %scan3A = arith.constant 0 : i32
    %scan3A_27 = arith.constant 0 : i32
    %scan3A_28 = arith.constant 52 : i32
    %scan3A_29 = arith.addi %scan3A_27, %scan3A_28 : i32
    %scan3A_30 = arith.constant 1 : i32
    scf.for %scan3A_79 = %scan3A_27 to %scan3A_29 step %scan3A_30  : i32 {
      %mul3A_80 = arith.constant 16 : i32
      %mul3A_81 = arith.muli %scan3A_79, %mul3A_80 : i32
      %swap3A_82 = arith.index_cast %mul3A_81 : i32 to index
      %swap3A_83 = tpu.vector_load %arg6[%swap3A_82] {strides = array<i32>} : memref<832xf32, #tpu.memory_space<vmem>>, vector<16xf32>,
      tpu.vector_store %arg6[%swap3A_82], %broadcast_in_dim3A_24 {strides = array<i32>} : memref<832xf32, #tpu.memory_space<vmem>>, vector<16xf32>,
    }
    %scan3A_31 = arith.constant 52 : i32
    %swap3A = arith.constant 0 : index
    %swap3A_32 = tpu.vector_load %arg7[%swap3A] {strides = array<i32>} : memref<176xf32, #tpu.memory_space<vmem>>, vector<16xf32>,
    tpu.vector_store %arg7[%swap3A], %broadcast_in_dim3A_26 {strides = array<i32>} : memref<176xf32, #tpu.memory_space<vmem>>, vector<16xf32>,
    %swap3A_33 = arith.constant 16 : index
    %swap3A_34 = tpu.vector_load %arg7[%swap3A_33] {strides = array<i32>} : memref<176xf32, #tpu.memory_space<vmem>>, vector<16xf32>,
    tpu.vector_store %arg7[%swap3A_33], %broadcast_in_dim3A_26 {strides = array<i32>} : memref<176xf32, #tpu.memory_space<vmem>>, vector<16xf32>,
    %swap3A_35 = arith.constant 32 : index
    %swap3A_36 = tpu.vector_load %arg7[%swap3A_35] {strides = array<i32>} : memref<176xf32, #tpu.memory_space<vmem>>, vector<16xf32>,
    tpu.vector_store %arg7[%swap3A_35], %broadcast_in_dim3A_26 {strides = array<i32>} : memref<176xf32, #tpu.memory_space<vmem>>, vector<16xf32>,
    %swap3A_37 = arith.constant 48 : index
    %swap3A_38 = tpu.vector_load %arg7[%swap3A_37] {strides = array<i32>} : memref<176xf32, #tpu.memory_space<vmem>>, vector<16xf32>,
    tpu.vector_store %arg7[%swap3A_37], %broadcast_in_dim3A_26 {strides = array<i32>} : memref<176xf32, #tpu.memory_space<vmem>>, vector<16xf32>,
    %swap3A_39 = arith.constant 64 : index
    %swap3A_40 = tpu.vector_load %arg7[%swap3A_39] {strides = array<i32>} : memref<176xf32, #tpu.memory_space<vmem>>, vector<16xf32>,
    tpu.vector_store %arg7[%swap3A_39], %broadcast_in_dim3A_26 {strides = array<i32>} : memref<176xf32, #tpu.memory_space<vmem>>, vector<16xf32>,
    %swap3A_41 = arith.constant 80 : index
    %swap3A_42 = tpu.vector_load %arg7[%swap3A_41] {strides = array<i32>} : memref<176xf32, #tpu.memory_space<vmem>>, vector<16xf32>,
    tpu.vector_store %arg7[%swap3A_41], %broadcast_in_dim3A_26 {strides = array<i32>} : memref<176xf32, #tpu.memory_space<vmem>>, vector<16xf32>,
    %swap3A_43 = arith.constant 96 : index
    %swap3A_44 = tpu.vector_load %arg7[%swap3A_43] {strides = array<i32>} : memref<176xf32, #tpu.memory_space<vmem>>, vector<16xf32>,
    tpu.vector_store %arg7[%swap3A_43], %broadcast_in_dim3A_26 {strides = array<i32>} : memref<176xf32, #tpu.memory_space<vmem>>, vector<16xf32>,
    %swap3A_45 = arith.constant 112 : index
    %swap3A_46 = tpu.vector_load %arg7[%swap3A_45] {strides = array<i32>} : memref<176xf32, #tpu.memory_space<vmem>>, vector<16xf32>,
    tpu.vector_store %arg7[%swap3A_45], %broadcast_in_dim3A_26 {strides = array<i32>} : memref<176xf32, #tpu.memory_space<vmem>>, vector<16xf32>,
    %swap3A_47 = arith.constant 128 : index
    %swap3A_48 = tpu.vector_load %arg7[%swap3A_47] {strides = array<i32>} : memref<176xf32, #tpu.memory_space<vmem>>, vector<16xf32>,
    tpu.vector_store %arg7[%swap3A_47], %broadcast_in_dim3A_26 {strides = array<i32>} : memref<176xf32, #tpu.memory_space<vmem>>, vector<16xf32>,
    %swap3A_49 = arith.constant 144 : index
    %swap3A_50 = tpu.vector_load %arg7[%swap3A_49] {strides = array<i32>} : memref<176xf32, #tpu.memory_space<vmem>>, vector<16xf32>,
    tpu.vector_store %arg7[%swap3A_49], %broadcast_in_dim3A_26 {strides = array<i32>} : memref<176xf32, #tpu.memory_space<vmem>>, vector<16xf32>,
    %swap3A_51 = arith.constant 160 : index
    %swap3A_52 = tpu.vector_load %arg7[%swap3A_51] {strides = array<i32>} : memref<176xf32, #tpu.memory_space<vmem>>, vector<16xf32>,
    tpu.vector_store %arg7[%swap3A_51], %broadcast_in_dim3A_26 {strides = array<i32>} : memref<176xf32, #tpu.memory_space<vmem>>, vector<16xf32>,
    %mul3A_53 = arith.constant 176 : i32
    %mul3A_54 = arith.muli %arg1, %mul3A_53 : i32
    "tpu.region"() ({
      %run_scoped3A = tpu.sem_alloc : memref<!tpu.dma_semaphore, #tpu.memory_space<semaphore_mem>>
      %dma_start3A_79 = tpu.memref_slice %arg4[%mul3A_54] : memref<2816xf32, #tpu.memory_space<vmem_shared>> -> memref<176xf32, #tpu.memory_space<vmem_shared>>
      %dma_start3A_80 = tpu.memref_slice %arg4[%mul3A_54] : memref<2816xf32, #tpu.memory_space<vmem_shared>> -> memref<176xf32, #tpu.memory_space<vmem_shared>>
      tpu.enqueue_dma source(%arg7 : memref<176xf32, #tpu.memory_space<vmem>>) target(%dma_start3A_80 : memref<176xf32, #tpu.memory_space<vmem_shared>>) target_semaphore(%run_scoped3A : memref<!tpu.dma_semaphore, #tpu.memory_space<semaphore_mem>>)
      %dma_wait3A_81 = tpu.memref_slice %arg4[%mul3A_54] : memref<2816xf32, #tpu.memory_space<vmem_shared>> -> memref<176xf32, #tpu.memory_space<vmem_shared>>
      %dma_wait3A_82 = tpu.memref_slice %arg4[%mul3A_54] : memref<2816xf32, #tpu.memory_space<vmem_shared>> -> memref<176xf32, #tpu.memory_space<vmem_shared>>
      tpu.wait_dma2 semaphore(%run_scoped3A : memref<!tpu.dma_semaphore, #tpu.memory_space<semaphore_mem>>) src(%arg7 : memref<176xf32, #tpu.memory_space<vmem>>) dst(%dma_wait3A_82 : memref<176xf32, #tpu.memory_space<vmem_shared>>)
      tpu.yield
    }) : () -> ()
    %dma_wait3A = arith.constant 1 : i32
    %dma_wait3A_55 = tpu.memref_slice %arg2[%dma_wait3A, %select_n3A_18] : memref<2x13264xi32, #tpu.memory_space<hbm>> -> memref<1x832xi32, #tpu.memory_space<hbm>>
    %dma_wait3A_56 = tpu.memref_squeeze %dma_wait3A_55 : memref<1x832xi32, #tpu.memory_space<hbm>> -> memref<832xi32, #tpu.memory_space<hbm>>
    %dma_wait3A_57 = tpu.memref_slice %arg2[%dma_wait3A, %select_n3A_18] : memref<2x13264xi32, #tpu.memory_space<hbm>> -> memref<1x832xi32, #tpu.memory_space<hbm>>
    %dma_wait3A_58 = tpu.memref_squeeze %dma_wait3A_57 : memref<1x832xi32, #tpu.memory_space<hbm>> -> memref<832xi32, #tpu.memory_space<hbm>>
    tpu.wait_dma2 semaphore(%arg12 : memref<!tpu.dma_semaphore, #tpu.memory_space<semaphore_mem>>) src(%dma_wait3A_58 : memref<832xi32, #tpu.memory_space<hbm>>) dst(%arg5 : memref<832xi32, #tpu.memory_space<vmem>>)
    %barrier3A = arith.constant 0 : index
    tpu.barrier barrier_id(%barrier3A)
    %lt3A = arith.constant 15 : i32
    %lt3A_59 = arith.cmpi slt, %arg1, %lt3A : i32
    %convert_element_type3A = arith.extui %lt3A_59 : i1 to i32
    %cond3A = arith.constant 0 : i32
    %cond3A_60 = arith.cmpi ne, %convert_element_type3A, %cond3A : i32
    scf.if %cond3A_60 {
      "tpu.region"() ({
        %run_scoped3A = tpu.sem_alloc : memref<!tpu.dma_semaphore, #tpu.memory_space<semaphore_mem>>
        %dma_start3A_79 = arith.constant 0 : i32
        %dma_start3A_80 = tpu.memref_slice %arg4[%dma_start3A_79] : memref<2816xf32, #tpu.memory_space<vmem_shared>> -> memref<2816xf32, #tpu.memory_space<vmem_shared>>
        tpu.enqueue_indirect_dma source(%arg6 : memref<832xf32, #tpu.memory_space<vmem>>) target(%dma_start3A_80 : memref<2816xf32, #tpu.memory_space<vmem_shared>>) offsets(%arg5 : memref<832xi32, #tpu.memory_space<vmem>>) semaphore(%run_scoped3A : memref<!tpu.dma_semaphore, #tpu.memory_space<semaphore_mem>>) {add = true}
        %dma_wait3A_81 = arith.constant 0 : i32
        %dma_wait3A_82 = tpu.memref_slice %arg4[%dma_wait3A_81] : memref<2816xf32, #tpu.memory_space<vmem_shared>> -> memref<2816xf32, #tpu.memory_space<vmem_shared>>
        tpu.wait_indirect_dma semaphore(%run_scoped3A : memref<!tpu.dma_semaphore, #tpu.memory_space<semaphore_mem>>) src(%arg6 : memref<832xf32, #tpu.memory_space<vmem>>) dst(%dma_wait3A_82 : memref<2816xf32, #tpu.memory_space<vmem_shared>>)
        tpu.yield
      }) : () -> ()
    } else {
    }
    %eq3A_61 = arith.constant 15 : i32
    %eq3A_62 = arith.cmpi eq, %arg1, %eq3A_61 : i32
    %convert_element_type3A_63 = arith.extui %eq3A_62 : i1 to i32
    %cond3A_64 = arith.constant 0 : i32
    %cond3A_65 = arith.cmpi ne, %convert_element_type3A_63, %cond3A_64 : i32
    scf.if %cond3A_65 {
      "tpu.region"() ({
        %run_scoped3A = tpu.sem_alloc : memref<!tpu.dma_semaphore, #tpu.memory_space<semaphore_mem>>
        %dma_start3A_79 = arith.constant 0 : i32
        %dma_start3A_80 = tpu.memref_slice %arg6[%dma_start3A_79] : memref<832xf32, #tpu.memory_space<vmem>> -> memref<784xf32, #tpu.memory_space<vmem>>
        %dma_start3A_81 = arith.constant 48 : i32
        %dma_start3A_82 = tpu.memref_slice %arg5[%dma_start3A_81] : memref<832xi32, #tpu.memory_space<vmem>> -> memref<784xi32, #tpu.memory_space<vmem>>
        %dma_start3A_83 = arith.constant 0 : i32
        %dma_start3A_84 = tpu.memref_slice %arg4[%dma_start3A_83] : memref<2816xf32, #tpu.memory_space<vmem_shared>> -> memref<2816xf32, #tpu.memory_space<vmem_shared>>
        tpu.enqueue_indirect_dma source(%dma_start3A_80 : memref<784xf32, #tpu.memory_space<vmem>>) target(%dma_start3A_84 : memref<2816xf32, #tpu.memory_space<vmem_shared>>) offsets(%dma_start3A_82 : memref<784xi32, #tpu.memory_space<vmem>>) semaphore(%run_scoped3A : memref<!tpu.dma_semaphore, #tpu.memory_space<semaphore_mem>>) {add = true}
        %dma_wait3A_85 = arith.constant 0 : i32
        %dma_wait3A_86 = tpu.memref_slice %arg6[%dma_wait3A_85] : memref<832xf32, #tpu.memory_space<vmem>> -> memref<784xf32, #tpu.memory_space<vmem>>
        %dma_wait3A_87 = arith.constant 48 : i32
        %dma_wait3A_88 = tpu.memref_slice %arg5[%dma_wait3A_87] : memref<832xi32, #tpu.memory_space<vmem>> -> memref<784xi32, #tpu.memory_space<vmem>>
        %dma_wait3A_89 = arith.constant 0 : i32
        %dma_wait3A_90 = tpu.memref_slice %arg4[%dma_wait3A_89] : memref<2816xf32, #tpu.memory_space<vmem_shared>> -> memref<2816xf32, #tpu.memory_space<vmem_shared>>
        tpu.wait_indirect_dma semaphore(%run_scoped3A : memref<!tpu.dma_semaphore, #tpu.memory_space<semaphore_mem>>) src(%dma_wait3A_86 : memref<784xf32, #tpu.memory_space<vmem>>) dst(%dma_wait3A_90 : memref<2816xf32, #tpu.memory_space<vmem_shared>>)
        tpu.yield
      }) : () -> ()
    } else {
    }
    %barrier3A_66 = arith.constant 0 : index
    tpu.barrier barrier_id(%barrier3A_66)
    "tpu.region"() ({
      %run_scoped3A = tpu.sem_alloc : memref<!tpu.dma_semaphore, #tpu.memory_space<semaphore_mem>>
      tpu.enqueue_dma source(%arg4 : memref<2816xf32, #tpu.memory_space<vmem_shared>>) target(%arg8 : memref<2816xf32, #tpu.memory_space<vmem>>) target_semaphore(%run_scoped3A : memref<!tpu.dma_semaphore, #tpu.memory_space<semaphore_mem>>)
      tpu.wait_dma2 semaphore(%run_scoped3A : memref<!tpu.dma_semaphore, #tpu.memory_space<semaphore_mem>>) src(%arg4 : memref<2816xf32, #tpu.memory_space<vmem_shared>>) dst(%arg8 : memref<2816xf32, #tpu.memory_space<vmem>>)
      tpu.yield
    }) : () -> ()
    %dma_wait3A_67 = arith.constant 0 : i32
    %dma_wait3A_68 = tpu.memref_slice %arg2[%dma_wait3A_67, %select_n3A] : memref<2x13264xi32, #tpu.memory_space<hbm>> -> memref<1x416xi32, #tpu.memory_space<hbm>>
    %dma_wait3A_69 = tpu.memref_squeeze %dma_wait3A_68 : memref<1x416xi32, #tpu.memory_space<hbm>> -> memref<416xi32, #tpu.memory_space<hbm>>
    %dma_wait3A_70 = tpu.memref_slice %arg2[%dma_wait3A_67, %select_n3A] : memref<2x13264xi32, #tpu.memory_space<hbm>> -> memref<1x416xi32, #tpu.memory_space<hbm>>
    %dma_wait3A_71 = tpu.memref_squeeze %dma_wait3A_70 : memref<1x416xi32, #tpu.memory_space<hbm>> -> memref<416xi32, #tpu.memory_space<hbm>>
    tpu.wait_dma2 semaphore(%arg12 : memref<!tpu.dma_semaphore, #tpu.memory_space<semaphore_mem>>) src(%dma_wait3A_71 : memref<416xi32, #tpu.memory_space<hbm>>) dst(%arg9 : memref<416xi32, #tpu.memory_space<vmem>>)
    %dma_wait3A_72 = arith.constant 1 : i32
    %dma_wait3A_73 = tpu.memref_slice %arg2[%dma_wait3A_72, %select_n3A] : memref<2x13264xi32, #tpu.memory_space<hbm>> -> memref<1x416xi32, #tpu.memory_space<hbm>>
    %dma_wait3A_74 = tpu.memref_squeeze %dma_wait3A_73 : memref<1x416xi32, #tpu.memory_space<hbm>> -> memref<416xi32, #tpu.memory_space<hbm>>
    %dma_wait3A_75 = tpu.memref_slice %arg2[%dma_wait3A_72, %select_n3A] : memref<2x13264xi32, #tpu.memory_space<hbm>> -> memref<1x416xi32, #tpu.memory_space<hbm>>
    %dma_wait3A_76 = tpu.memref_squeeze %dma_wait3A_75 : memref<1x416xi32, #tpu.memory_space<hbm>> -> memref<416xi32, #tpu.memory_space<hbm>>
    tpu.wait_dma2 semaphore(%arg12 : memref<!tpu.dma_semaphore, #tpu.memory_space<semaphore_mem>>) src(%dma_wait3A_76 : memref<416xi32, #tpu.memory_space<hbm>>) dst(%arg10 : memref<416xi32, #tpu.memory_space<vmem>>)
    %parallel_loop3A = arith.constant 0 : i32
    %parallel_loop3A_77 = arith.constant 416 : i32
    %parallel_loop3A_78 = arith.constant 16 : i32
    scf.for %parallel_loop3A_79 = %parallel_loop3A to %parallel_loop3A_77 step %parallel_loop3A_78  : i32 {
      %parallel_loop3A_80 = arith.index_cast %parallel_loop3A_79 : i32 to index
      %parallel_loop3A_81 = tpu.vector_load %arg9[%parallel_loop3A_80] {strides = array<i32>} : memref<416xi32, #tpu.memory_space<vmem>>, vector<16xi32>,
      %parallel_loop3A_82 = arith.index_cast %parallel_loop3A_79 : i32 to index
      %parallel_loop3A_83 = tpu.vector_load %arg10[%parallel_loop3A_82] {strides = array<i32>} : memref<416xi32, #tpu.memory_space<vmem>>, vector<16xi32>,
      %parallel_loop3A_84 = tpu.vector_load_idx %arg8[%parallel_loop3A_81] : memref<2816xf32, #tpu.memory_space<vmem>>[vector<16xi32>], vector<16xf32>,
      %parallel_loop3A_85 = tpu.vector_load_idx %arg8[%parallel_loop3A_83] : memref<2816xf32, #tpu.memory_space<vmem>>[vector<16xi32>], vector<16xf32>,
      %parallel_loop3A_86 = arith.mulf %parallel_loop3A_84, %parallel_loop3A_85 : vector<16xf32>
      %parallel_loop3A_87 = tpu.bitcast %parallel_loop3A_86 : vector<16xf32> -> vector<16xi32>
      %parallel_loop3A_88 = arith.constant 1 : i32
      %parallel_loop3A_89 = vector.broadcast %parallel_loop3A_88 : i32 to vector<16xi32>
      %parallel_loop3A_90 = arith.shrui %parallel_loop3A_87, %parallel_loop3A_89 : vector<16xi32>
      %parallel_loop3A_91 = arith.constant 1597463007 : i32
      %parallel_loop3A_92 = vector.broadcast %parallel_loop3A_91 : i32 to vector<16xi32>
      %parallel_loop3A_93 = arith.subi %parallel_loop3A_92, %parallel_loop3A_90 : vector<16xi32>
      %parallel_loop3A_94 = tpu.bitcast %parallel_loop3A_93 : vector<16xi32> -> vector<16xf32>
      %parallel_loop3A_95 = arith.constant 5.000000e-01 : f32
      %parallel_loop3A_96 = vector.broadcast %parallel_loop3A_95 : f32 to vector<16xf32>
      %parallel_loop3A_97 = arith.mulf %parallel_loop3A_96, %parallel_loop3A_86 : vector<16xf32>
      %parallel_loop3A_98 = arith.mulf %parallel_loop3A_97, %parallel_loop3A_94 : vector<16xf32>
      %parallel_loop3A_99 = arith.mulf %parallel_loop3A_98, %parallel_loop3A_94 : vector<16xf32>
      %parallel_loop3A_100 = arith.constant 1.500000e+00 : f32
      %parallel_loop3A_101 = vector.broadcast %parallel_loop3A_100 : f32 to vector<16xf32>
      %parallel_loop3A_102 = arith.subf %parallel_loop3A_101, %parallel_loop3A_99 : vector<16xf32>
      %parallel_loop3A_103 = arith.mulf %parallel_loop3A_94, %parallel_loop3A_102 : vector<16xf32>
      %parallel_loop3A_104 = arith.constant 5.000000e-01 : f32
      %parallel_loop3A_105 = vector.broadcast %parallel_loop3A_104 : f32 to vector<16xf32>
      %parallel_loop3A_106 = arith.mulf %parallel_loop3A_105, %parallel_loop3A_86 : vector<16xf32>
      %parallel_loop3A_107 = arith.mulf %parallel_loop3A_106, %parallel_loop3A_103 : vector<16xf32>
      %parallel_loop3A_108 = arith.mulf %parallel_loop3A_107, %parallel_loop3A_103 : vector<16xf32>
      %parallel_loop3A_109 = arith.constant 1.500000e+00 : f32
      %parallel_loop3A_110 = vector.broadcast %parallel_loop3A_109 : f32 to vector<16xf32>
      %parallel_loop3A_111 = arith.subf %parallel_loop3A_110, %parallel_loop3A_108 : vector<16xf32>
      %parallel_loop3A_112 = arith.mulf %parallel_loop3A_103, %parallel_loop3A_111 : vector<16xf32>
      %parallel_loop3A_113 = arith.constant 0.000000e+00 : f32
      %parallel_loop3A_114 = vector.broadcast %parallel_loop3A_113 : f32 to vector<16xf32>
      %parallel_loop3A_115 = arith.cmpf ogt, %parallel_loop3A_86, %parallel_loop3A_114 : vector<16xf32>
      %parallel_loop3A_116 = arith.constant 0.000000e+00 : f32
      %parallel_loop3A_117 = vector.broadcast %parallel_loop3A_116 : f32 to vector<16xf32>
      %parallel_loop3A_118 = arith.select %parallel_loop3A_115, %parallel_loop3A_112, %parallel_loop3A_117 : vector<16xi1>, vector<16xf32>
      %parallel_loop3A_119 = arith.index_cast %parallel_loop3A_79 : i32 to index
      %parallel_loop3A_120 = tpu.vector_load %arg11[%parallel_loop3A_119] {strides = array<i32>} : memref<416xf32, #tpu.memory_space<vmem>>, vector<16xf32>,
      tpu.vector_store %arg11[%parallel_loop3A_119], %parallel_loop3A_118 {strides = array<i32>} : memref<416xf32, #tpu.memory_space<vmem>>, vector<16xf32>,
    } {sc.loop_unroll_factor = 2 : i64, sc.parallel_access}
    "tpu.region"() ({
      %run_scoped3A = tpu.sem_alloc : memref<!tpu.dma_semaphore, #tpu.memory_space<semaphore_mem>>
      %dma_start3A_79 = tpu.memref_slice %arg3[%select_n3A] : memref<13264xf32, #tpu.memory_space<hbm>> -> memref<416xf32, #tpu.memory_space<hbm>>
      %dma_start3A_80 = tpu.memref_slice %arg3[%select_n3A] : memref<13264xf32, #tpu.memory_space<hbm>> -> memref<416xf32, #tpu.memory_space<hbm>>
      tpu.enqueue_dma source(%arg11 : memref<416xf32, #tpu.memory_space<vmem>>) target(%dma_start3A_80 : memref<416xf32, #tpu.memory_space<hbm>>) target_semaphore(%run_scoped3A : memref<!tpu.dma_semaphore, #tpu.memory_space<semaphore_mem>>)
      %dma_wait3A_81 = tpu.memref_slice %arg3[%select_n3A] : memref<13264xf32, #tpu.memory_space<hbm>> -> memref<416xf32, #tpu.memory_space<hbm>>
      %dma_wait3A_82 = tpu.memref_slice %arg3[%select_n3A] : memref<13264xf32, #tpu.memory_space<hbm>> -> memref<416xf32, #tpu.memory_space<hbm>>
      tpu.wait_dma2 semaphore(%run_scoped3A : memref<!tpu.dma_semaphore, #tpu.memory_space<semaphore_mem>>) src(%arg11 : memref<416xf32, #tpu.memory_space<vmem>>) dst(%dma_wait3A_82 : memref<416xf32, #tpu.memory_space<hbm>>)
      tpu.yield
    }) : () -> ()
    return
  }
}

</mosaic_0001>

<sc_bundles>
// kernel: kernel.3.cloned.1.call-start
scs
__scs_entry_jumppad:
0x0: {  	(pc) =	sbr.rel $0x88, $3  }
0x1: {  	(tag) =	ssettag $0x0;
	lr =	simm.s32 $0x1  }
0x2: {  	[smem:$0x3FA0] =	sst lr;
	_ =	strace $0xD0000000  }
0x3: {  	_ = 	snop  }
0x4: {  	_ = 	snop  }
0x5: {  	_ = 	snop  }
0x6: {  	_ = 	snop  }
0x7: {  	_ = 	snop  }
__scs_overlays_trampoline_lowered:
0x8: {  	[smem:$0x3FAF] =	sst s0  }
0x9: {  	[smem:$0x3FB0] =	sst s1  }
0xa: {  	[smem:$0x3FB1] =	sst s2  }
0xb: {  	[smem:$0x3FB2] =	sst s3  }
0xc: {  	[smem:$0x3FB3] =	sst s4  }
0xd: {  	[smem:$0x3FB4] =	sst s5  }
0xe: {  	[smem:$0x3FB5] =	sst s6  }
0xf: {  	[smem:$0x3FB6] =	sst s7  }
0x10: {  	[smem:$0x3FB7] =	sst s8  }
0x11: {  	[smem:$0x3FB8] =	sst s9;
	s0 =	simm.s32 @!p0 $0x0  }
0x12: {  	s1 =	sld [smem:$0x3F9E];
	s0 =	simm.s32 @p0 $0x1  }
0x13: {  	[smem:$0x3FB9] =	sst s0;
	s0 =	simm.s32 @!p1 $0x0  }
0x14: {  	s2 =	sld [smem:$0x3F9D];
	s0 =	simm.s32 @p1 $0x1  }
0x15: {  	[smem:$0x3FBA] =	sst s0;
	s0 =	simm.s32 @!p2 $0x0  }
0x16: {  	s3 =	sld [smem:$0x3FDB];
	s0 =	simm.s32 @p2 $0x1  }
0x17: {  	s4 =	simm.s32 $0x1BF5;
	[smem:$0x3FBC] =	sst s0  }
0x18: {  	s0 =	sld [smem:$0x3F9F];
	_ =	swait.ge [sflag:s4], $0x0  }
0x19: {  	s7 =	sld [smem:$0x3FA0]  }
0x1a: {  	s8 =	sadd.s32 $0xFFFFE003, lr  }
0x1b: {  	s9 =	sadd.s32 $0xFFFFFEF7, lr;
	s5 =	simm.s32 $0xFFFFFFFF;
	p2 =	slt.u32 s8, $0xFFFFF086  }
0x1c: {  	p1 =	slt.u32 s9, $0xF7A;
	s5 =	simm.s32 @!p2 $0x0  }
0x1d: {  	s5 =	simm.s32 @p1 $0x1;
	p0 =	seq.s32 s7, s2  }
0x1e: {  	s7 =	smul.u32 @!p0 $0xF7A, s2;
	p2 =	seq.s32 @!p0 s5, $0x0  }
0x1f: {  	s9 =	smul.u32 $0xF7A, s1;
	s8 =	simm.s32 @!p0 $0x1BF5;
	p2 =	por !p2, p0  }
0x20: {  	[sflag:s8] =	ssyncset.s32 @!p0 $0xFFFFF086;
	s6 =	sadd.s32 @!p0 s3, s7;
	s7 =	simm.s32 @!p0 $0x108  }
0x21: {  	s3 =	sadd.s32 s3, s9;
	s6 =	sadd.s32 @!p0 $0x88, s6;
	s7 =	simm.s32 @p2 $0x1082  }
0x22: {  	[simem:s7], [sflag:s8] =	dma.local @!p0 [hbm:s6], $0xF7A  }
0x23: {  	s9 =	sor.u32 $0xD0000000, s2;
	s6 =	simm.s32 $0x108;
	_ =	swait.ge @!p0 [sflag:s8], $0x0  }
0x24: {  	s3 =	sadd.s32 $0x88, s3;
	s6 =	simm.s32 @!p1 $0x1082;
	[sflag:s4] =	ssyncset.s32 $0xFFFFF086  }
0x25: {  	[simem:s6], [sflag:s4] =	dma.local [hbm:s3], $0xF7A  }
0x26: {  	[smem:$0x3FA0] =	sst s1;
	(tag) =	ssettag s2;
	_ =	strace s9  }
0x27: {  	s1 =	sld [smem:$0x3FB0]  }
0x28: {  	s2 =	sld [smem:$0x3FB1]  }
0x29: {  	s4 =	sld [smem:$0x3FB3]  }
0x2a: {  	p0 =	seq.s32 s5, $0x0;
	s5 =	sld [smem:$0x3FB4]  }
0x2b: {  	s6 =	sld [smem:$0x3FB5]  }
0x2c: {  	s7 =	sld [smem:$0x3FB6]  }
0x2d: {  	s3 =	simm.s32 $0x108;
	s8 =	sld [smem:$0x3FB7]  }
0x2e: {  	s3 =	simm.s32 @!p0 $0x1082;
	s9 =	sld [smem:$0x3FB8]  }
0x2f: {  	lr =	sadd.s32 s0, s3;
	s0 =	sld [smem:$0x3FAF]  }
0x30: {  	s3 =	sld [smem:$0x3FB2]  }
0x31: {  	[smem:$0x3FBB] =	sst s10  }
0x32: {  	s10 =	sld [smem:$0x3FB9];
	_ =	sdelay $0x3  }
0x33: {  	p0 =	seq.s32 s10, $0x1;
	s10 =	sld [smem:$0x3FBB];
	_ =	sdelay $0x3  }
0x34: {  	[smem:$0x3FBB] =	sst s10  }
0x35: {  	s10 =	sld [smem:$0x3FBA];
	_ =	sdelay $0x3  }
0x36: {  	p1 =	seq.s32 s10, $0x1;
	s10 =	sld [smem:$0x3FBB];
	_ =	sdelay $0x3  }
0x37: {  	[smem:$0x3FBB] =	sst s10  }
0x38: {  	s10 =	sld [smem:$0x3FBC]  }
0x39: {  	_ = 	snop;
	(pc) =	sbr.ind lr, $3  }
0x3a: {  	_ = 	snop  }
0x3b: {  	_ = 	snop  }
0x3c: {  	p2 =	seq.s32 s10, $0x1;
	s10 =	sld [smem:$0x3FBB]  }
0x3d: {  	_ =	shalt  }
0x3e: {  	_ =	shalt  }
0x3f: {  	_ =	shalt  }
0x40: {  	_ =	shalt  }
0x41: {  	_ =	shalt  }
0x42: {  	_ =	shalt  }
0x43: {  	_ =	shalt  }
0x44: {  	_ =	shalt  }
0x45: {  	_ =	shalt  }
0x46: {  	_ =	shalt  }
0x47: {  	_ =	shalt  }
0x48: {  	_ =	shalt  }
0x49: {  	_ =	shalt  }
0x4a: {  	_ =	shalt  }
0x4b: {  	_ =	shalt  }
0x4c: {  	_ =	shalt  }
0x4d: {  	_ =	shalt  }
0x4e: {  	_ =	shalt  }
0x4f: {  	_ =	shalt  }
0x50: {  	_ =	shalt  }
0x51: {  	_ =	shalt  }
0x52: {  	_ =	shalt  }
0x53: {  	_ =	shalt  }
0x54: {  	_ =	shalt  }
0x55: {  	_ =	shalt  }
0x56: {  	_ =	shalt  }
0x57: {  	_ =	shalt  }
0x58: {  	_ =	shalt  }
0x59: {  	_ =	shalt  }
0x5a: {  	_ =	shalt  }
0x5b: {  	_ =	shalt  }
0x5c: {  	_ =	shalt  }
0x5d: {  	_ =	shalt  }
0x5e: {  	_ =	shalt  }
0x5f: {  	_ =	shalt  }
0x60: {  	_ =	shalt  }
0x61: {  	_ =	shalt  }
0x62: {  	_ =	shalt  }
0x63: {  	_ =	shalt  }
0x64: {  	_ =	shalt  }
0x65: {  	_ =	shalt  }
0x66: {  	_ =	shalt  }
0x67: {  	_ =	shalt  }
0x68: {  	_ =	shalt  }
0x69: {  	_ =	shalt  }
0x6a: {  	_ =	shalt  }
0x6b: {  	_ =	shalt  }
0x6c: {  	_ =	shalt  }
0x6d: {  	_ =	shalt  }
0x6e: {  	_ =	shalt  }
0x6f: {  	_ =	shalt  }
0x70: {  	_ =	shalt  }
0x71: {  	_ =	shalt  }
0x72: {  	_ =	shalt  }
0x73: {  	_ =	shalt  }
0x74: {  	_ =	shalt  }
0x75: {  	_ =	shalt  }
0x76: {  	_ =	shalt  }
0x77: {  	_ =	shalt  }
0x78: {  	_ =	shalt  }
0x79: {  	_ =	shalt  }
0x7a: {  	_ =	shalt  }
0x7b: {  	_ =	shalt  }
0x7c: {  	_ =	shalt  }
0x7d: {  	_ =	shalt  }
0x7e: {  	_ =	shalt  }
0x7f: {  	_ =	shalt  }
0x80: {  	_ =	shalt  }
0x81: {  	_ =	shalt  }
0x82: {  	_ =	shalt  }
0x83: {  	_ =	shalt  }
0x84: {  	_ =	shalt  }
0x85: {  	_ =	shalt  }
0x86: {  	_ =	shalt  }
0x87: {  	_ =	shalt  }
.Lfunc_end0:
.L_simem_size_0:
called_computation_lowered:
.L_overlay_start_0:
0x88: {  	s2 =	sld [smem:$0x3FD9]  }
0x89: {  	s3 =	sld [smem:$0x3FFE];
	_ =	sdelay $0x1  }
0x8a: {  	s1 =	srdreg.scid  }
0x8b: {  	s0 =	sand.u32 $0x1, s1  }
0x8c: {  	s17 =	sshll.u32 s0, $0xA;
	s2 =	sadd.s32 s3, s2  }
0x8d: {  	s2 =	sadd.s32 s2, s17  }
0x8e: {  	[smem:$0x3FC7] =	sst s2  }
0x8f: {  	_ = 	snop  }
0x90: {  	s2 =	sld [smem:$0x3FD0];
	(tm) =	ssettm $0x1  }
0x91: {  	s18 =	sld [smem:$0x3FFB];
	_ =	sdelay $0x3  }
0x92: {  	_ =	strace s18  }
0x93: {  	s3 =	sld [smem:$0x3FFC];
	_ =	sdelay $0x3  }
0x94: {  	_ =	strace s3  }
0x95: {  	s3 =	sld [smem:$0x3FFD];
	_ =	sdelay $0x3  }
0x96: {  	_ =	strace s3  }
0x97: {  	_ =	strace $0x8FFFFFFF  }
0x98: {  	s19 =	sld [smem:$0x3FDB];
	_ =	sdelay $0x1  }
0x99: {  	s4 =	simm.s32 $_scs_section_size  }
0x9a: {  	s5 =	simm.s32 $_size__tile_overlayer_lowered;
	s6 =	simm.s32 $_tile_overlayer_lowered  }
0x9b: {  	s22 =	simm.s32 $0x1BFF;
	s21 =	sshll.u32 s6, $0x1;
	s3 =	sadd.s32 s4, s19  }
0x9c: {  	s7 =	simm.s32 $0x0;
	s20 =	sshll.u32 s5, $0x1;
	s5 =	sadd.s32 s21, s3  }
0x9d: {  	[timem:s7], [sflag:s22] =	dma.local [hbm:s5], s20  }
0x9e: {  	_ =	swait.ge [sflag:s22], s20  }
0x9f: {  	s4 =	ssub.s32 $0x0, s20;
	[sflag:s22] =	ssyncset.done $0x0  }
0xa0: {  	[sflag:s22] =	ssyncadd.s32 s4;
	_ =	sdelay $0x1  }
0xa1: {  	s23 =	simm.s32 $0x1B8B  }
0xa2: {  	_ =	swait.ge [sflag:s23], $0x1  }
0xa3: {  	[sflag:s23] =	ssyncset.done $0x0  }
0xa4: {  	s25 =	simm.s32 $0x1B8E;
	s24 =	sld [smem:$0x3FFE];
	[sflag:s23] =	ssyncadd.s32 $0xFFFFFFFF  }
0xa5: {  	s26 =	simm.s32 $execute0_lowered;
	[smem:$0x3FD2] =	sst s25  }
0xa6: {  	s5 =	sshll.u32 s26, $0x1;
	_ =	strace $0x80000046;
	[dreg:$0x1] =	wrdreg $0xFFFFFFFF  }
0xa7: {  	s28 =	simm.s32 $_size_execute0_lowered;
	s3 =	sadd.s32 s3, s5;
	[dreg:$0x0] =	wrdreg $0x0  }
0xa8: {  	s5 =	sshll.u32 s28, $0x1;
	[dreg:$0x2] =	wrdreg s3  }
0xa9: {  	[dreg:$0x3] =	wrdreg s5  }
0xaa: {  	[dreg:$0x4] =	wrdreg $0xC0  }
0xab: {  	_ =	task [dreg:s7], $0x5FFFF  }
0xac: {  	[dreg:$0x1] =	wrdreg $0xFFFFFFFF  }
0xad: {  	[dreg:$0x0] =	wrdreg $0x60  }
0xae: {  	[dreg:$0x2] =	wrdreg s24  }
0xaf: {  	[dreg:$0x3] =	wrdreg s2  }
0xb0: {  	[dreg:$0x4] =	wrdreg $0x0  }
0xb1: {  	[dreg:$0x5] =	wrdreg $0x9  }
0xb2: {  	_ =	task.clear_ibuf [dreg:s7], $0x6FFFF;
	_ =	strace $0x90000046  }
0xb3: {  	s29 =	simm.s32 $0x9;
	_ =	strace $0x80000048  }
0xb4: {  	_ =	swait.ge [sflag:s29], $0x1  }
0xb5: {  	[sflag:s29] =	ssyncadd.s32 $0xFFFFFFFF  }
0xb6: {  	_ =	strace $0x90000048  }
0xb7: {  	_ =	sfence  }
0xb8: {  	s30 =	sld [smem:$0x0];
	_ =	sdelay $0x2  }
0xb9: {  	s31 =	sshll.u32 s1, $0xD;
	s1 =	sshrl.u32 s1, $0x2  }
0xba: {  	s3 =	sand.u32 $0x4000, s31;
	s1 =	sadd.s32 s1, s30  }
0xbb: {  	s0 =	sor.u32 s3, s0;
	s1 =	sshll.u32 s1, $0x11  }
0xbc: {  	s0 =	sor.u32 s1, s0  }
0xbd: {  	s0 =	sadd.s32 $0x8F2B, s0  }
0xbe: {  	[sflag:s0] =	ssyncadd.remote.s32 $0x1  }
0xbf: {  	_ =	sfence.sel $0xFFFF  }
0xc0: {  	[dreg:$0x0] =	wrdreg $0xFFFFFFFF;
	(pc) =	sbr.abs _section_cstart, $3  }
0xc1: {  	[dreg:$0x1] =	wrdreg $0xFFFFFFFF  }
0xc2: {  	_ =	task.clear_ibuf [dreg:s7], $0x2FFFF;
	_ =	strace $0x9FFFFFFF  }
0xc3: {  	(tm) =	ssettm $0x7FFFFFFF  }
tec
execute0_lowered:
.L_overlay_start_1:
0x0: {  	(tag) =	ssettag $0x1  }
0x1: {  	s4 =	rddreg [dreg:$0x0]  }
0x2: {  	s0 =	srdreg.scid;
	s8 =	rddreg [dreg:$0x1]  }
0x3: {  	s2 =	rddreg [dreg:$0x2];
	s1 =	stileid.u32;
	s3 =	simm.s32 $0x0  }
0x4: {  	s12 =	simm.s32 $0xB0;
	s13 =	simm.s32 $0x730;
	s14 =	simm.s32 $0x2  }
0x5: {  	s15 =	simm.s32 $0x1;
	s16 =	simm.s32 $0x7E0;
	s17 =	simm.s32 $0x1620  }
0x6: {  	s18 =	simm.s32 $0x0;
	s5 =	sand.u32 $0x1, s0;
	s0 =	rddreg [dreg:$0x3]  }
0x7: {  	[smem:$0x7FF] =	sst s3;
	s29 =	smul.u32 $0x340, s1;
	s6 =	sshll.u32 s5, $0x4  }
0x8: {  	s9 =	sadd.s32 $0x400, s4;
	s31 =	smul.u32 $0x2C0, s1;
	s6 =	sor.u32 s1, s6  }
0x9: {  	_ =	strace $0x80000047;
	s30 =	ssub.s32 $0x2, s5;
	s7 =	smul.u32 $0x1A0, s6  }
0xa: {  	s5 =	sshrl.u32 s30, $0x1;
	p0 =	seq.s32 s6, $0x1F;
	s6 =	sshrl.u32 s29, $0x3  }
0xb: {  	s6 =	sadd.s32 $0x67A, s6;
	s7 =	simm.s32 @p0 $0x3230;
	p0 =	seq.s32 s1, $0xF  }
0xc: {  	s11 =	ssub.s32 s30, s5;
	s10 =	sshrl.u32 s7, $0x3;
	s6 =	simm.s32 @p0 $0xC8C  }
0xd: {  	s7 =	sshrl.u32 s31, $0x2;
	s4 =	sadd.s32 s9, s10;
	s6 =	sadd.s32 s9, s6  }
0xe: {  	s7 =	sadd.s32 s7, s2;
	s8 =	sadd.s32 s8, s10;
	s9 =	smax.u32 s11, $0x1  }
0xf: {  	v0 =	vimm.f32 $1.000000000e+00;
	v1 =	vimm.f32 $0.0e+00;
	s10 =	simm.s32 $0x12E0;
	s11 =	simm.s32 $0x1480;
	s5 =	sadd.s32 $0x67A, s4  }
.LBB2_1:
0x10: {  	[tilespmem:s10], [sflag:$0x1] =	stream.linear.gather [hbm4b:s4+s3], $0x1A0, $0x38;
	[tilespmem:$0x17C0] =	vst v63  }
0x11: {  	_ = 	snop  }
0x12: {  	[tilespmem:s11], [sflag:$0x1] =	stream.linear.gather [hbm4b:s5+s3], $0x1A0, $0x38;
	[tilespmem:$0x17C0] =	vst v63  }
0x13: {  	s19 =	simm.s32 $0x40;
	s20 =	simm.s32 $0x0  }
0x14: {  	[tilespmem:s12], [sflag:$0x1] =	stream.linear.gather [hbm4b:s6+s3], $0x340, $0x38;
	[tilespmem:$0x17C0] =	vst v63  }
.LBB2_2:
0x15: {  	p1 =	sne.s32 s19, $0xCC0;
	[tilespmem:s20+$0x3F0] =	vst v0;
	s20 =	smov.u32 s19;
	s19 =	sadd.s32 $0x40, s19  }
.Ltmp0:
0x16: {  	(pc) =	sbr.rel @p1 .LBB2_2-.Ltmp0, $2  }
0x17: {  	_ =	sdelay $0x2  }
0x18: {  	s20 =	sshra.s32 s20, $0x2  }
0x19: {  	[tilespmem:s20+$0x3F0] =	vst v0  }
0x1a: {  	[tilespmem:$0x730] =	vst v1  }
0x1b: {  	[tilespmem:$0x740] =	vst v1  }
0x1c: {  	[tilespmem:$0x750] =	vst v1  }
0x1d: {  	[tilespmem:$0x760] =	vst v1  }
0x1e: {  	[tilespmem:$0x770] =	vst v1  }
0x1f: {  	[tilespmem:$0x780] =	vst v1  }
0x20: {  	[tilespmem:$0x790] =	vst v1  }
0x21: {  	[tilespmem:$0x7A0] =	vst v1  }
0x22: {  	[tilespmem:$0x7B0] =	vst v1  }
0x23: {  	[tilespmem:$0x7C0] =	vst v1  }
0x24: {  	[tilespmem:$0x7D0] =	vst v1  }
0x25: {  	[spmem:s7] =	stream.linear.scatter [tilespmem:s13], [sflag:$0x2], $0xB0, $0x38;
	[tilespmem:$0x17C0] =	vst v63  }
0x26: {  	_ =	swait.ge [sflag:s14], $0xB0  }
0x27: {  	[sflag:s14] =	ssyncset.done $0x0  }
0x28: {  	[sflag:s14] =	ssyncadd.s32 $0xFFFFFF50  }
0x29: {  	_ =	swait.ge [sflag:s15], $0x340  }
0x2a: {  	[sflag:s15] =	ssyncset.done $0x0  }
0x2b: {  	s19 =	simm.s32 @p0 $0x310;
	[sflag:s15] =	ssyncadd.s32 $0xFFFFFCC0  }
0x2c: {  	s20 =	simm.s32 @p0 $0xE0;
	s21 =	simm.s32 @p0 $0x3F0;
	[bflag:$0x0] =	sbarrier.arrive $0xFFFF  }
0x2d: {  	[spmem:s2] =	stream.indirect.scatter.add.f32 @p0 [tilespmem:s21], [sflag:$0x2], $0x1, s20, s19, $0xb8;
	[tilespmem:$0x17C0] =	vst v63  }
0x2e: {  	s19 =	simm.s32 @p0 $0x2  }
0x2f: {  	_ =	swait.ge @p0 [sflag:s19], $0x310  }
0x30: {  	s20 =	simm.s32 @!p0 $0xB0;
	[sflag:s19] =	ssyncset.done @p0 $0x0  }
0x31: {  	s21 =	simm.s32 @!p0 $0x3F0;
	[sflag:s19] =	ssyncadd.s32 @p0 $0xFFFFFCF0;
	s19 =	simm.s32 @!p0 $0x340  }
0x32: {  	[spmem:s2] =	stream.indirect.scatter.add.f32 @!p0 [tilespmem:s21], [sflag:$0x2], $0x1, s20, s19, $0xb8;
	[tilespmem:$0x17C0] =	vst v63  }
0x33: {  	s19 =	simm.s32 @!p0 $0x2  }
0x34: {  	_ =	swait.ge @!p0 [sflag:s19], $0x340  }
0x35: {  	[sflag:s19] =	ssyncset.done @!p0 $0x0  }
0x36: {  	[sflag:s19] =	ssyncadd.s32 @!p0 $0xFFFFFCC0  }
0x37: {  	[bflag:$0x0] =	sbarrier.arrive $0xFFFF  }
0x38: {  	[tilespmem:s16], [sflag:$0x2] =	stream.linear.gather [spmem:s2], $0xB00, $0x38;
	[tilespmem:$0x17C0] =	vst v63  }
0x39: {  	_ =	swait.ge [sflag:s14], $0xB00  }
0x3a: {  	[sflag:s14] =	ssyncset.done $0x0  }
0x3b: {  	[sflag:s14] =	ssyncadd.s32 $0xFFFFF500  }
0x3c: {  	_ =	swait.ge [sflag:s15], $0x1A0  }
0x3d: {  	[sflag:s15] =	ssyncset.done $0x0  }
0x3e: {  	[sflag:s15] =	ssyncadd.s32 $0xFFFFFE60  }
0x3f: {  	_ =	swait.ge [sflag:s15], $0x1A0  }
0x40: {  	[sflag:s15] =	ssyncset.done $0x0  }
0x41: {  	s22 =	simm.s32 $0x12F0;
	[sflag:s15] =	ssyncadd.s32 $0xFFFFFE60  }
0x42: {  	s23 =	simm.s32 $0x1490;
	v2 =	vld [tilespmem:s22+$0x0]  }
0x43: {  	v3 =	vld [tilespmem:s23+$0x0]  }
0x44: {  	v4 =	vld [tilespmem:s23+$0xFFFFFFF0]  }
0x45: {  	s24 =	simm.s32 $0x1310;
	v5 =	vld [tilespmem:s22+$0xFFFFFFF0]  }
0x46: {  	s25 =	simm.s32 $0x14B0;
	v6 =	vld [tilespmem:s24+$0x0]  }
0x47: {  	v7 =	vld [tilespmem:s25+$0x0]  }
0x48: {  	s26 =	simm.s32 $0x1330;
	v8 =	vld [tilespmem:s25+$0xFFFFFFF0]  }
0x49: {  	v12 =	vld [tilespmem:s26+$0x0]  }
0x4a: {  	v2 =	vld.idx.msk [tilespmem:v2+s16+$0x0], $0xffff  }
0x4b: {  	s28 =	simm.s32 $0x14D0;
	v3 =	vld.idx.msk [tilespmem:v3+s16+$0x0], $0xffff  }
0x4c: {  	v13 =	vld [tilespmem:s28+$0x0]  }
0x4d: {  	v9 =	vld [tilespmem:s24+$0xFFFFFFF0]  }
0x4e: {  	v6 =	vld.idx.msk [tilespmem:v6+s16+$0x0], $0xffff  }
0x4f: {  	v7 =	vld.idx.msk [tilespmem:v7+s16+$0x0], $0xffff  }
0x50: {  	v5 =	vld.idx.msk [tilespmem:v5+s16+$0x0], $0xffff;
	v2 =	vmul.f32 v3, v2  }
0x51: {  	v3 =	vld.idx.msk [tilespmem:v4+s16+$0x0], $0xffff  }
0x52: {  	v4 =	vshrl.u32 v2, $0x1;
	v10 =	vmul.f32 $5.000000000e-01, v2  }
0x53: {  	v12 =	vld.idx.msk [tilespmem:v12+s16+$0x0], $0xffff;
	v4 =	vsub.s32 $0x5F3759DF, v4  }
0x54: {  	v13 =	vld.idx.msk [tilespmem:v13+s16+$0x0], $0xffff;
	v16 =	vmul.f32 v7, v6;
	v11 =	vmul.f32 v4, v10  }
0x55: {  	v9 =	vld.idx.msk [tilespmem:v9+s16+$0x0], $0xffff  }
0x56: {  	v6 =	vld.idx.msk [tilespmem:v8+s16+$0x0], $0xffff;
	v8 =	vshrl.u32 v16, $0x1;
	v3 =	vmul.f32 v3, v5;
	v5 =	vmul.f32 v4, v11  }
0x57: {  	v17 =	vmul.f32 $5.000000000e-01, v16;
	vm1 =	vgt.f32 v2, $0.0e+00;
	v8 =	vsub.s32 $0x5F3759DF, v8  }
0x58: {  	v7 =	vld [tilespmem:s26+$0xFFFFFFF0];
	v14 =	vshrl.u32 v3, $0x1;
	v15 =	vmul.f32 $5.000000000e-01, v3;
	v5 =	vsub.f32 $1.500000000e+00, v5  }
0x59: {  	v2 =	vmul.f32 v13, v12;
	v18 =	vmul.f32 v8, v17;
	v11 =	vld [tilespmem:s28+$0xFFFFFFF0];
	v14 =	vsub.s32 $0x5F3759DF, v14  }
0x5a: {  	v4 =	vmul.f32 v4, v5;
	v5 =	vmul.f32 v14, v15  }
0x5b: {  	s29 =	simm.s32 $0x1350;
	v6 =	vmul.f32 v6, v9;
	v9 =	vmul.f32 v8, v18  }
0x5c: {  	s30 =	simm.s32 $0x14F0;
	v19 =	vld [tilespmem:s29+$0x0];
	v10 =	vmul.f32 v4, v10;
	v5 =	vmul.f32 v14, v5  }
0x5d: {  	v20 =	vld [tilespmem:s30+$0x0];
	v9 =	vsub.f32 $1.500000000e+00, v9  }
0x5e: {  	v13 =	vshrl.u32 v2, $0x1;
	v10 =	vmul.f32 v10, v4;
	v5 =	vsub.f32 $1.500000000e+00, v5  }
0x5f: {  	v13 =	vsub.s32 $0x5F3759DF, v13;
	v8 =	vmul.f32 v8, v9  }
0x60: {  	vm0 =	vgt.f32 v3, $0.0e+00;
	v7 =	vld.idx.msk [tilespmem:v7+s16+$0x0], $0xffff;
	v3 =	vsub.f32 $1.500000000e+00, v10;
	v5 =	vmul.f32 v14, v5  }
0x61: {  	v21 =	vmul.f32 $5.000000000e-01, v6;
	v9 =	vld.idx.msk [tilespmem:v11+s16+$0x0], $0xffff;
	v10 =	vshrl.u32 v6, $0x1;
	v14 =	vmul.f32 v8, v17  }
0x62: {  	v18 =	vld [tilespmem:s30+$0xFFFFFFF0];
	v3 =	vmul.f32 v3, v4;
	v4 =	vsub.s32 $0x5F3759DF, v10;
	v10 =	vmul.f32 v5, v15  }
0x63: {  	vm0 =	vmmov vm0;
	v11 =	vld [tilespmem:s29+$0xFFFFFFF0];
	v15 =	vmul.f32 $5.000000000e-01, v2;
	v14 =	vmul.f32 v14, v8  }
0x64: {  	v17 =	vld.idx.msk [tilespmem:v19+s16+$0x0], $0xffff;
	v12 =	vnsel vm1, $0x0, v3;
	v3 =	vmul.f32 v4, v21;
	v10 =	vmul.f32 v10, v5  }
0x65: {  	s31 =	simm.s32 $0x1370;
	v19 =	vld.idx.msk [tilespmem:v20+s16+$0x0], $0xffff;
	vm1 =	vgt.f32 v6, $0.0e+00;
	v6 =	vmul.f32 v13, v15;
	v14 =	vsub.f32 $1.500000000e+00, v14  }
0x66: {  	s21 =	simm.s32 $0x1510;
	vm2 =	vmmov vm0;
	v20 =	vld [tilespmem:s31+$0x0];
	v9 =	vmul.f32 v9, v7;
	v3 =	vmul.f32 v4, v3  }
0x67: {  	v22 =	vld [tilespmem:s21+$0x0];
	v10 =	vsub.f32 $1.500000000e+00, v10;
	v7 =	vmul.f32 v13, v6;
	v24 =	vmul.f32 v14, v8  }
0x68: {  	vm0 =	vmmov vm1;
	vm1 =	vgt.f32 v16, $0.0e+00;
	v3 =	vsub.f32 $1.500000000e+00, v3  }
0x69: {  	v23 =	vmul.f32 v10, v5;
	v5 =	vsub.f32 $1.500000000e+00, v7;
	v16 =	vnsel vm1, $0x0, v24  }
0x6a: {  	v14 =	vld [tilespmem:s31+$0xFFFFFFF0];
	v6 =	vmul.f32 v4, v3;
	v3 =	vshrl.u32 v9, $0x1;
	v4 =	vmul.f32 $5.000000000e-01, v9  }
0x6b: {  	v11 =	vld.idx.msk [tilespmem:v11+s16+$0x0], $0xffff;
	v8 =	vmul.f32 v13, v5;
	v7 =	vsub.s32 $0x5F3759DF, v3;
	v3 =	vmul.f32 v19, v17  }
0x6c: {  	vm1 =	vgt.f32 v9, $0.0e+00;
	v13 =	vld.idx.msk [tilespmem:v18+s16+$0x0], $0xffff;
	v17 =	vmul.f32 v7, v4;
	v19 =	vmul.f32 v6, v21  }
0x6d: {  	s20 =	simm.s32 $0x1630;
	v10 =	vld [tilespmem:s21+$0xFFFFFFF0];
	v18 =	vmul.f32 v8, v15;
	v9 =	vshrl.u32 v3, $0x1;
	v5 =	vmul.f32 $5.000000000e-01, v3  }
0x6e: {  	s19 =	simm.s32 $0x1650;
	[tilespmem:s20+$0x0] =	vst v12;
	v15 =	vld.idx.msk [tilespmem:v20+s16+$0x0], $0xffff;
	v9 =	vsub.s32 $0x5F3759DF, v9;
	v20 =	vmul.f32 v7, v17;
	v19 =	vmul.f32 v19, v6  }
0x6f: {  	s22 =	simm.s32 $0x80;
	s23 =	simm.s32 $0x1390;
	[tilespmem:s19+$0x0] =	vst v16;
	v16 =	vld.idx.msk [tilespmem:v22+s16+$0x0], $0xffff;
	v12 =	vnsel vm2, $0x0, v23;
	v18 =	vmul.f32 v18, v8;
	v17 =	vmul.f32 v9, v5  }
.LBB2_4:
0x70: {  	v21 =	vld [tilespmem:s23+$0x0];
	s21 =	sadd.s32 $0x20, s21;
	v20 =	vsub.f32 $1.500000000e+00, v20;
	v19 =	vsub.f32 $1.500000000e+00, v19;
	[tilespmem:s20+$0xFFFFFFF0] =	vst v12;
	vm2 =	vmmov vm0;
	s20 =	smov.u32 s19  }
0x71: {  	s22 =	sadd.s32 $0x20, s22;
	v22 =	vmul.f32 v13, v11;
	v12 =	vld [tilespmem:s21+$0x0];
	v11 =	vmul.f32 v9, v17;
	v13 =	vsub.f32 $1.500000000e+00, v18  }
0x72: {  	vm0 =	vmmov vm1;
	p1 =	slt.u32 s22, $0x180;
	v17 =	vld [tilespmem:s21+$0xFFFFFFF0];
	v23 =	vmul.f32 v19, v6;
	v6 =	vmul.f32 v7, v20  }
0x73: {  	v7 =	vshrl.u32 v22, $0x1;
	v18 =	vld [tilespmem:s23+$0xFFFFFFF0];
	v19 =	vsub.f32 $1.500000000e+00, v11;
	v20 =	vmul.f32 v13, v8  }
0x74: {  	vm1 =	vgt.f32 v2, $0.0e+00;
	v2 =	vmovc v3;
	v7 =	vsub.s32 $0x5F3759DF, v7;
	v11 =	vld.idx.msk [tilespmem:v14+s16+$0x0], $0xffff;
	v14 =	vmul.f32 $5.000000000e-01, v22  }
.Ltmp1:
0x75: {  	s19 =	sadd.s32 $0x20, s19;
	v3 =	vmul.f32 v16, v15;
	v13 =	vld.idx.msk [tilespmem:v10+s16+$0x0], $0xffff;
	v8 =	vmul.f32 v9, v19;
	v9 =	vnsel vm1, $0x0, v20;
	(pc) =	sbr.rel @p1 .LBB2_4-.Ltmp1, $4  }
0x76: {  	vm1 =	vgt.f32 v22, $0.0e+00;
	v19 =	vmul.f32 v6, v4;
	v16 =	vmul.f32 v7, v14;
	[tilespmem:s19+$0x0] =	vst v9;
	v4 =	vmovc v14  }
0x77: {  	v9 =	vshrl.u32 v3, $0x1;
	v22 =	vmul.f32 v8, v5;
	v5 =	vmul.f32 $5.000000000e-01, v3;
	v10 =	vmovc v17  }
0x78: {  	v9 =	vsub.s32 $0x5F3759DF, v9;
	v19 =	vmul.f32 v19, v6;
	v15 =	vld.idx.msk [tilespmem:v21+s16+$0x0], $0xffff;
	v20 =	vmul.f32 v7, v16;
	v14 =	vmovc v18  }
0x79: {  	s23 =	sadd.s32 $0x20, s23;
	v16 =	vld.idx.msk [tilespmem:v12+s16+$0x0], $0xffff;
	v17 =	vmul.f32 v9, v5;
	v18 =	vmul.f32 v22, v8;
	v12 =	vnsel vm2, $0x0, v23  }
0x7a: {  	_ =	sdelay $0x3  }
0x7b: {  	v14 =	vld.idx.msk [tilespmem:v14+s16+$0x0], $0xffff  }
0x7c: {  	v10 =	vld.idx.msk [tilespmem:v10+s16+$0x0], $0xffff  }
0x7d: {  	v46 =	vsub.f32 $1.500000000e+00, v20;
	v19 =	vsub.f32 $1.500000000e+00, v19;
	v15 =	vmul.f32 v16, v15  }
0x7e: {  	v11 =	vmul.f32 v13, v11;
	vm2 =	vgt.f32 v2, $0.0e+00;
	vm0 =	vmmov vm0  }
0x7f: {  	vm1 =	vmmov vm1;
	v47 =	vshrl.u32 v15, $0x1;
	v21 =	vmul.f32 $5.000000000e-01, v15  }
0x80: {  	vm11 =	vgt.f32 v3, $0.0e+00;
	v17 =	vmul.f32 v9, v17;
	v48 =	vsub.s32 $0x5F3759DF, v47  }
0x81: {  	v49 =	vshrl.u32 v11, $0x1;
	v10 =	vmul.f32 v10, v14;
	v20 =	vmul.f32 v48, v21  }
0x82: {  	v7 =	vmul.f32 v7, v46;
	v51 =	vmul.f32 $5.000000000e-01, v11;
	v16 =	vsub.s32 $0x5F3759DF, v49  }
0x83: {  	v52 =	vshrl.u32 v10, $0x1;
	v53 =	vmul.f32 $5.000000000e-01, v10;
	v50 =	vmul.f32 v48, v20  }
0x84: {  	v6 =	vmul.f32 v19, v6;
	v55 =	vmul.f32 v16, v51;
	v19 =	vsub.s32 $0x5F3759DF, v52  }
0x85: {  	v18 =	vsub.f32 $1.500000000e+00, v18;
	v56 =	vmul.f32 v19, v53;
	v14 =	vsub.f32 $1.500000000e+00, v50  }
0x86: {  	v17 =	vsub.f32 $1.500000000e+00, v17;
	v2 =	vmul.f32 v7, v4;
	v57 =	vmul.f32 v16, v55  }
0x87: {  	vm9 =	vmmov vm1;
	v13 =	vmul.f32 v48, v14;
	v14 =	vmul.f32 v19, v56  }
0x88: {  	vm8 =	vgt.f32 v11, $0.0e+00;
	v54 =	vmul.f32 v9, v17;
	v4 =	vsub.f32 $1.500000000e+00, v57  }
0x89: {  	v8 =	vmul.f32 v18, v8;
	v2 =	vmul.f32 v2, v7;
	v58 =	vsub.f32 $1.500000000e+00, v14  }
0x8a: {  	vm10 =	vmmov vm8;
	v5 =	vmul.f32 v54, v5;
	v4 =	vmul.f32 v16, v4  }
0x8b: {  	v6 =	vnsel vm0, $0x0, v6;
	v59 =	vmul.f32 v13, v21;
	v11 =	vmul.f32 v19, v58  }
0x8c: {  	v2 =	vsub.f32 $1.500000000e+00, v2;
	v5 =	vmul.f32 v5, v54;
	v60 =	vmul.f32 v4, v51  }
0x8d: {  	vm13 =	vmmov vm10;
	v14 =	vmul.f32 v59, v13;
	v61 =	vmul.f32 v11, v53  }
0x8e: {  	v2 =	vmul.f32 v2, v7;
	v5 =	vsub.f32 $1.500000000e+00, v5;
	v7 =	vmul.f32 v60, v4  }
0x8f: {  	[tilespmem:s20+$0xFFFFFFF0] =	vst v12;
	v8 =	vnsel vm2, $0x0, v8;
	v3 =	vsub.f32 $1.500000000e+00, v14;
	v62 =	vmul.f32 v61, v11  }
0x90: {  	s29 =	sadd.s32 $0x20, s19;
	[tilespmem:s19+$0xFFFFFFF0] =	vst v6;
	vm14 =	vgt.f32 v15, $0.0e+00;
	v5 =	vmul.f32 v5, v54;
	v7 =	vsub.f32 $1.500000000e+00, v7  }
0x91: {  	[tilespmem:s29+$0x0] =	vst v8;
	v2 =	vnsel vm9, $0x0, v2;
	v3 =	vmul.f32 v3, v13;
	v63 =	vsub.f32 $1.500000000e+00, v62  }
0x92: {  	s30 =	sadd.s32 $0x20, s29;
	vm12 =	vgt.f32 v10, $0.0e+00;
	[tilespmem:s29+$0xFFFFFFF0] =	vst v2;
	v5 =	vnsel vm11, $0x0, v5;
	v4 =	vmul.f32 v7, v4  }
0x93: {  	s31 =	sadd.s32 $0x20, s30;
	vm2 =	vmmov vm12;
	[tilespmem:s30+$0x0] =	vst v5;
	v2 =	vnsel vm14, $0x0, v3;
	v3 =	vmul.f32 v63, v11  }
0x94: {  	s18 =	sadd.s32 $0x1, s18;
	vm15 =	vmmov vm2;
	[tilespmem:s31+$0x0] =	vst v2;
	v2 =	vnsel vm13, $0x0, v4  }
0x95: {  	p1 =	sne.s32 s18, s9;
	[tilespmem:s30+$0xFFFFFFF0] =	vst v2;
	v2 =	vnsel vm15, $0x0, v3  }
.Ltmp2:
0x96: {  	[tilespmem:s31+$0xFFFFFFF0] =	vst v2;
	(pc) =	sbr.rel @p1 .LBB2_1-.Ltmp2, $4  }
0x97: {  	[hbm4b:s8+s3] =	stream.linear.scatter [tilespmem:s17], [sflag:$0x2], $0x1A0, $0x38;
	[tilespmem:$0x17C0] =	vst v63  }
0x98: {  	_ =	swait.ge [sflag:s14], $0x1A0  }
0x99: {  	[sflag:s14] =	ssyncset.done $0x0  }
0x9a: {  	[sflag:s14] =	ssyncadd.s32 $0xFFFFFE60  }
0x9b: {  	_ =	sfence.sel $0x180000  }
0x9c: {  	[bflag:$0x0] =	sbarrier.arrive $0xFFFF  }
0x9d: {  	p0 =	sne.s32 s1, $0x0;
	_ =	strace $0x90000047  }
0x9e: {  	s0 =	sadd.s32 @!p0 $0x100000, s0;
	[bflag:$0x2] =	sbarrier.arrive $0xFFFF  }
0x9f: {  	[sflag:s0] =	ssyncadd.tile.s32 @!p0 $0x1;
	_ =	shalt  }
.Lfunc_end2:
_tile_overlayer_lowered:
.L_overlay_start_2:
0xa0: {  	(tag) =	ssettag $0x2  }
0xa1: {  	s0 =	rddreg [dreg:$0x0];
	s2 =	stileid.u32  }
0xa2: {  	s1 =	rddreg [dreg:$0x1];
	p0 =	sne.s32 s2, $0x0  }
0xa3: {  	s3 =	rddreg [dreg:$0x2];
	[bflag:$0x3] =	sbarrier.arrive $0xFFFF;
	s2 =	simm.s32 @!p0 $0x1C02  }
0xa4: {  	[timem:s3], [sflag:s2] =	dma.local @!p0 [hbm:s0], s1  }
0xa5: {  	s0 =	simm.s32 @!p0 $0x2  }
0xa6: {  	_ =	swait.ge @!p0 [sflag:s0], s1  }
0xa7: {  	s1 =	ssub.s32 @!p0 $0x0, s1;
	[sflag:s0] =	ssyncset.done @!p0 $0x0  }
0xa8: {  	[sflag:s0] =	ssyncadd.s32 @!p0 s1  }
0xa9: {  	[bflag:$0x3] =	sbarrier.arrive $0xFFFF  }
0xaa: {  	_ =	shalt  }

</sc_bundles>
